<compile_context>
chip_gen: v7x
topology: tpu7x:2x2x1
jax: 0.10.2.dev20260603
libtpu: 0.0.44.dev20260713+nightly
codegen_flags: <defaults>
</compile_context>

<pallas_src>
import functools

import jax
import jax.numpy as jnp
import numpy as np
from jax import lax
from jax.experimental import pallas as pl
from jax.experimental.pallas import tpu as pltpu
from jax.experimental.pallas import tpu_sc as plsc

_NUM_EMB = 8192
_EMB_DIM = 32
_BETA = 0.25

_RBLK = 256
_KBLK = 512
_NR = _NUM_EMB // _RBLK
_NK = _NUM_EMB // _KBLK
_STRIP = 2048
_BLKS_PER_STRIP = _STRIP // _KBLK
_BIG_I32 = 2**30


def _rnd_bf16(x):
    u = lax.bitcast_convert_type(x, jnp.uint32)
    u = (u + np.uint32(0x7FFF) + ((u >> 16) & np.uint32(1))) & np.uint32(0xFFFF0000)
    return lax.bitcast_convert_type(u, jnp.float32)


def _argmin_body(f_ref, cb_ref, a_ref, cn_ref, idx_ref, loss_ref,
                 sv_ref, si_ref, av_ref, ai_ref, ad_ref, acc_ref):
    r = pl.program_id(0)
    k = pl.program_id(1)
    lhs = _rnd_bf16(2.0 * f_ref[...])
    rhs = _rnd_bf16(cb_ref[...])
    mm = lax.dot_general(
        lhs, rhs,
        dimension_numbers=(((1,), (1,)), ((), ())),
        preferred_element_type=jnp.float32,
    )
    d = (a_ref[...] - mm) + cn_ref[...]
    lmin = jnp.min(d, axis=1, keepdims=True)
    kidx = lax.broadcasted_iota(jnp.int32, d.shape, 1) + k * _KBLK
    lidx = jnp.min(jnp.where(d == lmin, kidx, _BIG_I32), axis=1, keepdims=True)

    @pl.when(k % _BLKS_PER_STRIP == 0)
    def _():
        sv_ref[...] = lmin
        si_ref[...] = lidx

    @pl.when(k % _BLKS_PER_STRIP != 0)
    def _():
        better = lmin < sv_ref[...]
        si_ref[...] = jnp.where(better, lidx, si_ref[...])
        sv_ref[...] = jnp.where(better, lmin, sv_ref[...])

    @pl.when(k == _BLKS_PER_STRIP - 1)
    def _():
        av_ref[...] = _rnd_bf16(sv_ref[...])
        ai_ref[...] = si_ref[...]
        ad_ref[...] = sv_ref[...]

    @pl.when((k % _BLKS_PER_STRIP == _BLKS_PER_STRIP - 1)
             & (k > _BLKS_PER_STRIP - 1))
    def _():
        steal = sv_ref[...] < av_ref[...]
        av_ref[...] = jnp.where(steal, _rnd_bf16(sv_ref[...]), av_ref[...])
        ai_ref[...] = jnp.where(steal, si_ref[...], ai_ref[...])
        ad_ref[...] = jnp.where(steal, sv_ref[...], ad_ref[...])

    @pl.when(k == _NK - 1)
    def _():
        idx_ref[...] = ai_ref[...]
        s = jnp.sum(ad_ref[...])

        @pl.when(r == 0)
        def _():
            acc_ref[0] = s

        @pl.when(r > 0)
        def _():
            acc_ref[0] = acc_ref[0] + s

        @pl.when(r == _NR - 1)
        def _():
            loss_ref[...] = jnp.full(
                (1, 1), acc_ref[0] * ((1.0 + _BETA) / (8192.0 * 32.0)),
                dtype=jnp.float32)


def _argmin_call(flat, codebook, a, cn):
    return pl.pallas_call(
        _argmin_body,
        grid=(_NR, _NK),
        in_specs=[
            pl.BlockSpec((_RBLK, _EMB_DIM), lambda r, k: (r, 0)),
            pl.BlockSpec((_KBLK, _EMB_DIM), lambda r, k: (k, 0)),
            pl.BlockSpec((_RBLK, 1), lambda r, k: (r, 0)),
            pl.BlockSpec((1, _KBLK), lambda r, k: (0, k)),
        ],
        out_specs=[
            pl.BlockSpec((_RBLK, 1), lambda r, k: (r, 0)),
            pl.BlockSpec((1, 1), lambda r, k: (0, 0)),
        ],
        out_shape=[
            jax.ShapeDtypeStruct((8192, 1), jnp.int32),
            jax.ShapeDtypeStruct((1, 1), jnp.float32),
        ],
        scratch_shapes=[
            pltpu.VMEM((_RBLK, 1), jnp.float32),
            pltpu.VMEM((_RBLK, 1), jnp.int32),
            pltpu.VMEM((_RBLK, 1), jnp.float32),
            pltpu.VMEM((_RBLK, 1), jnp.int32),
            pltpu.VMEM((_RBLK, 1), jnp.float32),
            pltpu.SMEM((1,), jnp.float32),
        ],
        compiler_params=pltpu.CompilerParams(
            dimension_semantics=("arbitrary", "arbitrary"),
        ),
    )(flat, codebook, a, cn)


_SC_MESH = plsc.VectorSubcoreMesh(core_axis_name="c", subcore_axis_name="s")
_ROWS_PER_W = 2
_PAD_DIM = 128


def _gather_body(cb_hbm, idx_hbm, out_hbm, idx_v, rows_v, sem):
    wid = lax.axis_index("s") * 2 + lax.axis_index("c")
    base = wid * _ROWS_PER_W
    pltpu.sync_copy(idx_hbm.at[pl.ds(base, _ROWS_PER_W)], idx_v)
    c0 = pltpu.async_copy(cb_hbm.at[idx_v.at[0]], rows_v.at[0], sem)
    c1 = pltpu.async_copy(cb_hbm.at[idx_v.at[1]], rows_v.at[1], sem)
    c0.wait()
    c1.wait()
    pltpu.sync_copy(rows_v, out_hbm.at[pl.ds(base, _ROWS_PER_W)])


_gather_call = functools.partial(
    pl.kernel,
    mesh=_SC_MESH,
    out_type=jax.ShapeDtypeStruct((64, 128, _PAD_DIM), jnp.float32),
    scratch_types=[
        pltpu.VMEM((_ROWS_PER_W, 128), jnp.int32),
        pltpu.VMEM((_ROWS_PER_W, 128, _PAD_DIM), jnp.float32),
        pltpu.SemaphoreType.DMA,
    ],
)(_gather_body)


def kernel(z, codebook):
    flat = z.reshape(-1, _EMB_DIM)
    a = jnp.sum(z ** 2, axis=2).reshape(-1, 1)
    cn = jnp.sum(codebook ** 2, axis=1)[None, :]
    idx, loss = _argmin_call(flat, codebook, a, cn)
    cb_pad = jnp.pad(codebook, ((0, 0), (0, _PAD_DIM - _EMB_DIM)))
    rows = _gather_call(cb_pad, idx.reshape(64, 128))
    zq = rows.reshape(8192, _PAD_DIM)[:, :_EMB_DIM].reshape(z.shape)
    quantized = z + (zq - z)
    return quantized, loss[0, 0]

# --- scband reference (transcript-rebuilt; emitter-appended) ---
"""Pipeline reference for scband-vector-quantizer-27685359190331 (READ-ONLY COPY).

The authoritative reference and input builder live on the scoring server;
editing this copy changes nothing except your own understanding.
"""

import jax, jax.numpy as jnp
import numpy as np

NUM_EMBEDDINGS = 8192
EMBEDDING_DIM = 32
BETA = 0.25


def setup_inputs(seed: int = 0) -> dict:
    key = jax.random.key(seed)
    k1, k2 = jax.random.split(key)
    z = jax.random.normal(k1, (8, 1024, EMBEDDING_DIM), dtype=jnp.float32)
    codebook = jax.random.normal(k2, (NUM_EMBEDDINGS, EMBEDDING_DIM), dtype=jnp.float32) * 0.02
    return {"z": z, "codebook": codebook}


def reference(z, codebook):
    # VQ-VAE VectorQuantizer forward (standard Keras implementation semantics)
    input_shape = z.shape
    flat = z.reshape(-1, EMBEDDING_DIM)
    # squared L2 distances to every codebook entry: [N, K]
    distances = (
        jnp.sum(flat ** 2, axis=1, keepdims=True)
        - 2.0 * flat @ codebook.T
        + jnp.sum(codebook ** 2, axis=1)[None, :]
    )
    encoding_indices = jnp.argmin(distances, axis=1)
    quantized_flat = jnp.take(codebook, encoding_indices, axis=0)
    zq = quantized_flat.reshape(input_shape)
    # losses
    commitment_loss = jnp.mean((jax.lax.stop_gradient(zq) - z) ** 2)
    codebook_loss = jnp.mean((zq - jax.lax.stop_gradient(z)) ** 2)
    loss = codebook_loss + BETA * commitment_loss
    # straight-through estimator
    quantized = z + jax.lax.stop_gradient(zq - z)
    return quantized, loss

if __name__ == "__main__":
    import jax
    _d = setup_inputs()
    print(jax.jit(kernel)(*tuple(_d.values())))

</pallas_src>

<mosaic_0001>
#map = affine_map<(d0, d1) -> (0, 0)>
#map1 = affine_map<(d0, d1) -> (0, 0, 0)>
module attributes {stable_mosaic.version = 14 : i64} {
  func.func @_gather_body(%arg0: i32, %arg1: i32, %arg2: memref<8192x128xf32, #tpu.memory_space<hbm>>, %arg3: memref<64x128xi32, #tpu.memory_space<hbm>>, %arg4: memref<64x128x128xf32, #tpu.memory_space<hbm>>, %arg5: memref<2x128xi32, #tpu.memory_space<vmem>>, %arg6: memref<2x128x128xf32, #tpu.memory_space<vmem>>, %arg7: memref<!tpu.dma_semaphore, #tpu.memory_space<semaphore_mem>>) attributes {dimension_semantics = [#tpu.dimension_semantics<core_parallel>, #tpu.dimension_semantics<subcore_parallel>], iteration_bounds = array<i64: 2, 16>, scalar_prefetch = 0 : i64, scratch_operands = 3 : i64, tpu.core_type = #tpu.core_type<sc_vector_subcore>, window_params = [{transform_indices = #map}, {transform_indices = #map}, {transform_indices = #map1}]} {
    %mul3A = arith.constant 2 : i32
    %mul3A_0 = arith.muli %arg1, %mul3A : i32
    %add3A = arith.addi %mul3A_0, %arg0 : i32
    %mul3A_1 = arith.constant 2 : i32
    %mul3A_2 = arith.muli %add3A, %mul3A_1 : i32
    "tpu.region"() ({
      %run_scoped3A = tpu.sem_alloc : memref<!tpu.dma_semaphore, #tpu.memory_space<semaphore_mem>>
      %dma_start3A_49 = arith.constant 0 : i32
      %dma_start3A_50 = tpu.memref_slice %arg3[%mul3A_2, %dma_start3A_49] : memref<64x128xi32, #tpu.memory_space<hbm>> -> memref<2x128xi32, #tpu.memory_space<hbm>>
      %dma_start3A_51 = arith.constant 0 : i32
      %dma_start3A_52 = tpu.memref_slice %arg3[%mul3A_2, %dma_start3A_51] : memref<64x128xi32, #tpu.memory_space<hbm>> -> memref<2x128xi32, #tpu.memory_space<hbm>>
      tpu.enqueue_dma source(%dma_start3A_52 : memref<2x128xi32, #tpu.memory_space<hbm>>) target(%arg5 : memref<2x128xi32, #tpu.memory_space<vmem>>) target_semaphore(%run_scoped3A : memref<!tpu.dma_semaphore, #tpu.memory_space<semaphore_mem>>)
      %dma_wait3A_53 = arith.constant 0 : i32
      %dma_wait3A_54 = tpu.memref_slice %arg3[%mul3A_2, %dma_wait3A_53] : memref<64x128xi32, #tpu.memory_space<hbm>> -> memref<2x128xi32, #tpu.memory_space<hbm>>
      %dma_wait3A_55 = arith.constant 0 : i32
      %dma_wait3A_56 = tpu.memref_slice %arg3[%mul3A_2, %dma_wait3A_55] : memref<64x128xi32, #tpu.memory_space<hbm>> -> memref<2x128xi32, #tpu.memory_space<hbm>>
      tpu.wait_dma2 semaphore(%run_scoped3A : memref<!tpu.dma_semaphore, #tpu.memory_space<semaphore_mem>>) src(%dma_wait3A_56 : memref<2x128xi32, #tpu.memory_space<hbm>>) dst(%arg5 : memref<2x128xi32, #tpu.memory_space<vmem>>)
      tpu.yield
    }) : () -> ()
    %dma_start3A = arith.constant 0 : i32
    %dma_start3A_3 = arith.constant 0 : i32
    %dma_start3A_4 = arith.constant 0 : i32
    %dma_start3A_5 = arith.constant 0 : i32
    %dma_start3A_6 = tpu.memref_slice %arg6[%dma_start3A_3, %dma_start3A_4, %dma_start3A_5] : memref<2x128x128xf32, #tpu.memory_space<vmem>> -> memref<1x128x128xf32, #tpu.memory_space<vmem>>
    %dma_start3A_7 = tpu.memref_squeeze %dma_start3A_6 : memref<1x128x128xf32, #tpu.memory_space<vmem>> -> memref<128x128xf32, #tpu.memory_space<vmem>>
    %dma_start3A_8 = arith.constant 0 : i32
    %dma_start3A_9 = tpu.memref_slice %arg5[%dma_start3A, %dma_start3A_8] : memref<2x128xi32, #tpu.memory_space<vmem>> -> memref<1x128xi32, #tpu.memory_space<vmem>>
    %dma_start3A_10 = tpu.memref_squeeze %dma_start3A_9 : memref<1x128xi32, #tpu.memory_space<vmem>> -> memref<128xi32, #tpu.memory_space<vmem>>
    %dma_start3A_11 = arith.constant 0 : i32
    %dma_start3A_12 = arith.constant 0 : i32
    %dma_start3A_13 = tpu.memref_slice %arg2[%dma_start3A_11, %dma_start3A_12] : memref<8192x128xf32, #tpu.memory_space<hbm>> -> memref<8192x128xf32, #tpu.memory_space<hbm>>
    tpu.enqueue_indirect_dma source(%dma_start3A_13 : memref<8192x128xf32, #tpu.memory_space<hbm>>) target(%dma_start3A_7 : memref<128x128xf32, #tpu.memory_space<vmem>>) offsets(%dma_start3A_10 : memref<128xi32, #tpu.memory_space<vmem>>) semaphore(%arg7 : memref<!tpu.dma_semaphore, #tpu.memory_space<semaphore_mem>>)
    %dma_start3A_14 = arith.constant 1 : i32
    %dma_start3A_15 = arith.constant 1 : i32
    %dma_start3A_16 = arith.constant 0 : i32
    %dma_start3A_17 = arith.constant 0 : i32
    %dma_start3A_18 = tpu.memref_slice %arg6[%dma_start3A_15, %dma_start3A_16, %dma_start3A_17] : memref<2x128x128xf32, #tpu.memory_space<vmem>> -> memref<1x128x128xf32, #tpu.memory_space<vmem>>
    %dma_start3A_19 = tpu.memref_squeeze %dma_start3A_18 : memref<1x128x128xf32, #tpu.memory_space<vmem>> -> memref<128x128xf32, #tpu.memory_space<vmem>>
    %dma_start3A_20 = arith.constant 0 : i32
    %dma_start3A_21 = tpu.memref_slice %arg5[%dma_start3A_14, %dma_start3A_20] : memref<2x128xi32, #tpu.memory_space<vmem>> -> memref<1x128xi32, #tpu.memory_space<vmem>>
    %dma_start3A_22 = tpu.memref_squeeze %dma_start3A_21 : memref<1x128xi32, #tpu.memory_space<vmem>> -> memref<128xi32, #tpu.memory_space<vmem>>
    %dma_start3A_23 = arith.constant 0 : i32
    %dma_start3A_24 = arith.constant 0 : i32
    %dma_start3A_25 = tpu.memref_slice %arg2[%dma_start3A_23, %dma_start3A_24] : memref<8192x128xf32, #tpu.memory_space<hbm>> -> memref<8192x128xf32, #tpu.memory_space<hbm>>
    tpu.enqueue_indirect_dma source(%dma_start3A_25 : memref<8192x128xf32, #tpu.memory_space<hbm>>) target(%dma_start3A_19 : memref<128x128xf32, #tpu.memory_space<vmem>>) offsets(%dma_start3A_22 : memref<128xi32, #tpu.memory_space<vmem>>) semaphore(%arg7 : memref<!tpu.dma_semaphore, #tpu.memory_space<semaphore_mem>>)
    %dma_wait3A = arith.constant 0 : i32
    %dma_wait3A_26 = arith.constant 0 : i32
    %dma_wait3A_27 = arith.constant 0 : i32
    %dma_wait3A_28 = arith.constant 0 : i32
    %dma_wait3A_29 = tpu.memref_slice %arg6[%dma_wait3A_26, %dma_wait3A_27, %dma_wait3A_28] : memref<2x128x128xf32, #tpu.memory_space<vmem>> -> memref<1x128x128xf32, #tpu.memory_space<vmem>>
    %dma_wait3A_30 = tpu.memref_squeeze %dma_wait3A_29 : memref<1x128x128xf32, #tpu.memory_space<vmem>> -> memref<128x128xf32, #tpu.memory_space<vmem>>
    %dma_wait3A_31 = arith.constant 0 : i32
    %dma_wait3A_32 = tpu.memref_slice %arg5[%dma_wait3A, %dma_wait3A_31] : memref<2x128xi32, #tpu.memory_space<vmem>> -> memref<1x128xi32, #tpu.memory_space<vmem>>
    %dma_wait3A_33 = tpu.memref_squeeze %dma_wait3A_32 : memref<1x128xi32, #tpu.memory_space<vmem>> -> memref<128xi32, #tpu.memory_space<vmem>>
    %dma_wait3A_34 = arith.constant 0 : i32
    %dma_wait3A_35 = arith.constant 0 : i32
    %dma_wait3A_36 = tpu.memref_slice %arg2[%dma_wait3A_34, %dma_wait3A_35] : memref<8192x128xf32, #tpu.memory_space<hbm>> -> memref<8192x128xf32, #tpu.memory_space<hbm>>
    tpu.wait_indirect_dma semaphore(%arg7 : memref<!tpu.dma_semaphore, #tpu.memory_space<semaphore_mem>>) src(%dma_wait3A_36 : memref<8192x128xf32, #tpu.memory_space<hbm>>) dst(%dma_wait3A_30 : memref<128x128xf32, #tpu.memory_space<vmem>>)
    %dma_wait3A_37 = arith.constant 1 : i32
    %dma_wait3A_38 = arith.constant 1 : i32
    %dma_wait3A_39 = arith.constant 0 : i32
    %dma_wait3A_40 = arith.constant 0 : i32
    %dma_wait3A_41 = tpu.memref_slice %arg6[%dma_wait3A_38, %dma_wait3A_39, %dma_wait3A_40] : memref<2x128x128xf32, #tpu.memory_space<vmem>> -> memref<1x128x128xf32, #tpu.memory_space<vmem>>
    %dma_wait3A_42 = tpu.memref_squeeze %dma_wait3A_41 : memref<1x128x128xf32, #tpu.memory_space<vmem>> -> memref<128x128xf32, #tpu.memory_space<vmem>>
    %dma_wait3A_43 = arith.constant 0 : i32
    %dma_wait3A_44 = tpu.memref_slice %arg5[%dma_wait3A_37, %dma_wait3A_43] : memref<2x128xi32, #tpu.memory_space<vmem>> -> memref<1x128xi32, #tpu.memory_space<vmem>>
    %dma_wait3A_45 = tpu.memref_squeeze %dma_wait3A_44 : memref<1x128xi32, #tpu.memory_space<vmem>> -> memref<128xi32, #tpu.memory_space<vmem>>
    %dma_wait3A_46 = arith.constant 0 : i32
    %dma_wait3A_47 = arith.constant 0 : i32
    %dma_wait3A_48 = tpu.memref_slice %arg2[%dma_wait3A_46, %dma_wait3A_47] : memref<8192x128xf32, #tpu.memory_space<hbm>> -> memref<8192x128xf32, #tpu.memory_space<hbm>>
    tpu.wait_indirect_dma semaphore(%arg7 : memref<!tpu.dma_semaphore, #tpu.memory_space<semaphore_mem>>) src(%dma_wait3A_48 : memref<8192x128xf32, #tpu.memory_space<hbm>>) dst(%dma_wait3A_42 : memref<128x128xf32, #tpu.memory_space<vmem>>)
    "tpu.region"() ({
      %run_scoped3A = tpu.sem_alloc : memref<!tpu.dma_semaphore, #tpu.memory_space<semaphore_mem>>
      %dma_start3A_49 = arith.constant 0 : i32
      %dma_start3A_50 = arith.constant 0 : i32
      %dma_start3A_51 = tpu.memref_slice %arg4[%mul3A_2, %dma_start3A_49, %dma_start3A_50] : memref<64x128x128xf32, #tpu.memory_space<hbm>> -> memref<2x128x128xf32, #tpu.memory_space<hbm>>
      %dma_start3A_52 = arith.constant 0 : i32
      %dma_start3A_53 = arith.constant 0 : i32
      %dma_start3A_54 = tpu.memref_slice %arg4[%mul3A_2, %dma_start3A_52, %dma_start3A_53] : memref<64x128x128xf32, #tpu.memory_space<hbm>> -> memref<2x128x128xf32, #tpu.memory_space<hbm>>
      tpu.enqueue_dma source(%arg6 : memref<2x128x128xf32, #tpu.memory_space<vmem>>) target(%dma_start3A_54 : memref<2x128x128xf32, #tpu.memory_space<hbm>>) target_semaphore(%run_scoped3A : memref<!tpu.dma_semaphore, #tpu.memory_space<semaphore_mem>>)
      %dma_wait3A_55 = arith.constant 0 : i32
      %dma_wait3A_56 = arith.constant 0 : i32
      %dma_wait3A_57 = tpu.memref_slice %arg4[%mul3A_2, %dma_wait3A_55, %dma_wait3A_56] : memref<64x128x128xf32, #tpu.memory_space<hbm>> -> memref<2x128x128xf32, #tpu.memory_space<hbm>>
      %dma_wait3A_58 = arith.constant 0 : i32
      %dma_wait3A_59 = arith.constant 0 : i32
      %dma_wait3A_60 = tpu.memref_slice %arg4[%mul3A_2, %dma_wait3A_58, %dma_wait3A_59] : memref<64x128x128xf32, #tpu.memory_space<hbm>> -> memref<2x128x128xf32, #tpu.memory_space<hbm>>
      tpu.wait_dma2 semaphore(%run_scoped3A : memref<!tpu.dma_semaphore, #tpu.memory_space<semaphore_mem>>) src(%arg6 : memref<2x128x128xf32, #tpu.memory_space<vmem>>) dst(%dma_wait3A_60 : memref<2x128x128xf32, #tpu.memory_space<hbm>>)
      tpu.yield
    }) : () -> ()
    return
  }
}

module attributes {stable_mosaic.version = 14 : i64} {
  func.func @_argmin_body(%arg0: i32, %arg1: i32, %arg2: memref<256x32xf32, #tpu.memory_space<vmem>>, %arg3: memref<512x32xf32, #tpu.memory_space<vmem>>, %arg4: memref<256x1xf32, #tpu.memory_space<vmem>>, %arg5: memref<1x512xf32, #tpu.memory_space<vmem>>, %arg6: memref<256x1xi32, #tpu.memory_space<vmem>>, %arg7: memref<1x1xf32, #tpu.memory_space<vmem>>, %arg8: memref<256x1xf32, #tpu.memory_space<vmem>>, %arg9: memref<256x1xi32, #tpu.memory_space<vmem>>, %arg10: memref<256x1xf32, #tpu.memory_space<vmem>>, %arg11: memref<256x1xi32, #tpu.memory_space<vmem>>, %arg12: memref<256x1xf32, #tpu.memory_space<vmem>>, %arg13: memref<1xf32, #tpu.memory_space<smem>>) attributes {dimension_semantics = [#tpu.dimension_semantics<arbitrary>, #tpu.dimension_semantics<arbitrary>], iteration_bounds = array<i64: 32, 16>, scalar_prefetch = 0 : i64, scratch_operands = 6 : i64, tpu.core_type = #tpu.core_type<tc>, window_params = [{transform_indices = @transform_0, window_bounds = array<i64: 256, 32>}, {transform_indices = @transform_1, window_bounds = array<i64: 512, 32>}, {transform_indices = @transform_2, window_bounds = array<i64: 256, 1>}, {transform_indices = @transform_3, window_bounds = array<i64: 1, 512>}, {transform_indices = @transform_4, window_bounds = array<i64: 256, 1>}, {pipeline_mode = #tpu.pipeline_mode<synchronous>, transform_indices = @transform_5, window_bounds = array<i64: 1, 1>}]} {
    %get3A = arith.constant 0 : index
    %get3A_0 = arith.constant 0 : index
    %get3A_1 = vector.load %arg2[%get3A, %get3A_0] : memref<256x32xf32, #tpu.memory_space<vmem>>, vector<256x32xf32>
    %mul3A = arith.constant 2.000000e+00 : f32
    %mul3A_2 = vector.broadcast %mul3A : f32 to vector<256x32xf32>
    %mul3A_3 = arith.mulf %mul3A_2, %get3A_1 : vector<256x32xf32>
    %bitcast_convert_type3A = tpu.bitcast %mul3A_3 : vector<256x32xf32> -> vector<256x32xi32>
    %add3A = arith.constant 32767 : i32
    %add3A_4 = vector.broadcast %add3A : i32 to vector<256x32xi32>
    %add3A_5 = arith.addi %bitcast_convert_type3A, %add3A_4 : vector<256x32xi32>
    %shift_right_logical3A = arith.constant 16 : i32
    %shift_right_logical3A_6 = vector.broadcast %shift_right_logical3A : i32 to vector<256x32xi32>
    %shift_right_logical3A_7 = arith.shrui %bitcast_convert_type3A, %shift_right_logical3A_6 : vector<256x32xi32>
    %and3A = arith.constant 1 : i32
    %and3A_8 = vector.broadcast %and3A : i32 to vector<256x32xi32>
    %and3A_9 = arith.andi %shift_right_logical3A_7, %and3A_8 : vector<256x32xi32>
    %add3A_10 = arith.addi %add3A_5, %and3A_9 : vector<256x32xi32>
    %and3A_11 = arith.constant -65536 : i32
    %and3A_12 = vector.broadcast %and3A_11 : i32 to vector<256x32xi32>
    %and3A_13 = arith.andi %add3A_10, %and3A_12 : vector<256x32xi32>
    %bitcast_convert_type3A_14 = tpu.bitcast %and3A_13 : vector<256x32xi32> -> vector<256x32xf32>
    %get3A_15 = arith.constant 0 : index
    %get3A_16 = arith.constant 0 : index
    %get3A_17 = vector.load %arg3[%get3A_15, %get3A_16] : memref<512x32xf32, #tpu.memory_space<vmem>>, vector<512x32xf32>
    %bitcast_convert_type3A_18 = tpu.bitcast %get3A_17 : vector<512x32xf32> -> vector<512x32xi32>
    %add3A_19 = arith.constant 32767 : i32
    %add3A_20 = vector.broadcast %add3A_19 : i32 to vector<512x32xi32>
    %add3A_21 = arith.addi %bitcast_convert_type3A_18, %add3A_20 : vector<512x32xi32>
    %shift_right_logical3A_22 = arith.constant 16 : i32
    %shift_right_logical3A_23 = vector.broadcast %shift_right_logical3A_22 : i32 to vector<512x32xi32>
    %shift_right_logical3A_24 = arith.shrui %bitcast_convert_type3A_18, %shift_right_logical3A_23 : vector<512x32xi32>
    %and3A_25 = arith.constant 1 : i32
    %and3A_26 = vector.broadcast %and3A_25 : i32 to vector<512x32xi32>
    %and3A_27 = arith.andi %shift_right_logical3A_24, %and3A_26 : vector<512x32xi32>
    %add3A_28 = arith.addi %add3A_21, %and3A_27 : vector<512x32xi32>
    %and3A_29 = arith.constant -65536 : i32
    %and3A_30 = vector.broadcast %and3A_29 : i32 to vector<512x32xi32>
    %and3A_31 = arith.andi %add3A_28, %and3A_30 : vector<512x32xi32>
    %bitcast_convert_type3A_32 = tpu.bitcast %and3A_31 : vector<512x32xi32> -> vector<512x32xf32>
    %dot_general3A = arith.constant dense<0.000000e+00> : vector<256x512xf32>
    %dot_general3A_33 = tpu.matmul %bitcast_convert_type3A_14, %bitcast_convert_type3A_32, %dot_general3A {dimension_numbers = #tpu.dot_dimension_numbers<[1], [1], [0], [0], [0, 0, 1, 0], [], []>, transpose_lhs_hint = false} : vector<256x32xf32>, vector<512x32xf32>, vector<256x512xf32> -> vector<256x512xf32>
    %get3A_34 = arith.constant 0 : index
    %get3A_35 = arith.constant 0 : index
    %get3A_36 = vector.load %arg4[%get3A_34, %get3A_35] : memref<256x1xf32, #tpu.memory_space<vmem>>, vector<256x1xf32>
    %sub3A = vector.broadcast %get3A_36 : vector<256x1xf32> to vector<256x512xf32>
    %sub3A_37 = arith.subf %sub3A, %dot_general3A_33 : vector<256x512xf32>
    %get3A_38 = arith.constant 0 : index
    %get3A_39 = arith.constant 0 : index
    %get3A_40 = vector.load %arg5[%get3A_38, %get3A_39] : memref<1x512xf32, #tpu.memory_space<vmem>>, vector<1x512xf32>
    %add3A_41 = vector.broadcast %get3A_40 : vector<1x512xf32> to vector<256x512xf32>
    %add3A_42 = arith.addf %sub3A_37, %add3A_41 : vector<256x512xf32>
    %reduce_min3A = arith.constant dense<0x7F800000> : vector<256xf32>
    %reduce_min3A_43 = vector.multi_reduction <minimumf>, %add3A_42, %reduce_min3A [1] : vector<256x512xf32> to vector<256xf32>
    %broadcast_in_dim3A = vector.shape_cast %reduce_min3A_43 : vector<256xf32> to vector<256x1xf32>
    %iota3A = tpu.iota {dimensions = array<i32: 1>} : vector<256x512xi32>
    %mul3A_44 = arith.constant 512 : i32
    %mul3A_45 = arith.muli %arg1, %mul3A_44 : i32
    %add3A_46 = vector.broadcast %mul3A_45 : i32 to vector<256x512xi32>
    %add3A_47 = arith.addi %iota3A, %add3A_46 : vector<256x512xi32>
    %eq3A = vector.broadcast %broadcast_in_dim3A : vector<256x1xf32> to vector<256x512xf32>
    %eq3A_48 = arith.cmpf oeq, %add3A_42, %eq3A : vector<256x512xf32>
    %jit3A = arith.constant 1073741824 : i32
    %broadcast_in_dim3A_49 = vector.broadcast %jit3A : i32 to vector<256x512xi32>
    %select_n3A = arith.select %eq3A_48, %add3A_47, %broadcast_in_dim3A_49 : vector<256x512xi1>, vector<256x512xi32>
    %reduce_min3A_50 = arith.constant dense<2147483647> : vector<256xi32>
    %reduce_min3A_51 = vector.multi_reduction <minsi>, %select_n3A, %reduce_min3A_50 [1] : vector<256x512xi32> to vector<256xi32>
    %broadcast_in_dim3A_52 = vector.shape_cast %reduce_min3A_51 : vector<256xi32> to vector<256x1xi32>
    %jit3A_53 = arith.constant 4 : i32
    %eq3A_54 = arith.constant 0 : i32
    %eq3A_55 = arith.cmpi eq, %jit3A_53, %eq3A_54 : i32
    %jit3A_56 = arith.constant 1 : i32
    %select_n3A_57 = arith.select %eq3A_55, %jit3A_56, %jit3A_53 : i32
    %rem3A = arith.remsi %arg1, %select_n3A_57 : i32
    %ne3A = arith.constant 0 : i32
    %ne3A_58 = arith.cmpi ne, %rem3A, %ne3A : i32
    %lt3A = arith.constant 0 : i32
    %lt3A_59 = arith.cmpi slt, %rem3A, %lt3A : i32
    %lt3A_60 = arith.constant 0 : i32
    %lt3A_61 = arith.cmpi slt, %select_n3A_57, %lt3A_60 : i32
    %ne3A_62 = arith.xori %lt3A_59, %lt3A_61 : i1
    %and3A_63 = arith.andi %ne3A_62, %ne3A_58 : i1
    %add3A_64 = arith.addi %rem3A, %select_n3A_57 : i32
    %select_n3A_65 = arith.select %and3A_63, %add3A_64, %rem3A : i32
    %eq3A_66 = arith.constant 0 : i32
    %eq3A_67 = arith.cmpi eq, %select_n3A_65, %eq3A_66 : i32
    %convert_element_type3A = arith.extui %eq3A_67 : i1 to i32
    %cond3A = arith.constant 0 : i32
    %cond3A_68 = arith.cmpi ne, %convert_element_type3A, %cond3A : i32
    scf.if %cond3A_68 {
      %swap3A = arith.constant 0 : index
      %swap3A_123 = arith.constant 0 : index
      %swap3A_124 = vector.load %arg8[%swap3A, %swap3A_123] : memref<256x1xf32, #tpu.memory_space<vmem>>, vector<256x1xf32>
      tpu.vector_store %arg8[%swap3A, %swap3A_123], %broadcast_in_dim3A {strides = array<i32>} : memref<256x1xf32, #tpu.memory_space<vmem>>, vector<256x1xf32>,
      %swap3A_125 = arith.constant 0 : index
      %swap3A_126 = arith.constant 0 : index
      %swap3A_127 = vector.load %arg9[%swap3A_125, %swap3A_126] : memref<256x1xi32, #tpu.memory_space<vmem>>, vector<256x1xi32>
      tpu.vector_store %arg9[%swap3A_125, %swap3A_126], %broadcast_in_dim3A_52 {strides = array<i32>} : memref<256x1xi32, #tpu.memory_space<vmem>>, vector<256x1xi32>,
    } else {
    }
    %jit3A_69 = arith.constant 4 : i32
    %eq3A_70 = arith.constant 0 : i32
    %eq3A_71 = arith.cmpi eq, %jit3A_69, %eq3A_70 : i32
    %jit3A_72 = arith.constant 1 : i32
    %select_n3A_73 = arith.select %eq3A_71, %jit3A_72, %jit3A_69 : i32
    %rem3A_74 = arith.remsi %arg1, %select_n3A_73 : i32
    %ne3A_75 = arith.constant 0 : i32
    %ne3A_76 = arith.cmpi ne, %rem3A_74, %ne3A_75 : i32
    %lt3A_77 = arith.constant 0 : i32
    %lt3A_78 = arith.cmpi slt, %rem3A_74, %lt3A_77 : i32
    %lt3A_79 = arith.constant 0 : i32
    %lt3A_80 = arith.cmpi slt, %select_n3A_73, %lt3A_79 : i32
    %ne3A_81 = arith.xori %lt3A_78, %lt3A_80 : i1
    %and3A_82 = arith.andi %ne3A_81, %ne3A_76 : i1
    %add3A_83 = arith.addi %rem3A_74, %select_n3A_73 : i32
    %select_n3A_84 = arith.select %and3A_82, %add3A_83, %rem3A_74 : i32
    %ne3A_85 = arith.constant 0 : i32
    %ne3A_86 = arith.cmpi ne, %select_n3A_84, %ne3A_85 : i32
    %convert_element_type3A_87 = arith.extui %ne3A_86 : i1 to i32
    %cond3A_88 = arith.constant 0 : i32
    %cond3A_89 = arith.cmpi ne, %convert_element_type3A_87, %cond3A_88 : i32
    scf.if %cond3A_89 {
      %get3A_123 = arith.constant 0 : index
      %get3A_124 = arith.constant 0 : index
      %get3A_125 = vector.load %arg8[%get3A_123, %get3A_124] : memref<256x1xf32, #tpu.memory_space<vmem>>, vector<256x1xf32>
      %lt3A_126 = arith.cmpf olt, %broadcast_in_dim3A, %get3A_125 : vector<256x1xf32>
      %get3A_127 = arith.constant 0 : index
      %get3A_128 = arith.constant 0 : index
      %get3A_129 = vector.load %arg9[%get3A_127, %get3A_128] : memref<256x1xi32, #tpu.memory_space<vmem>>, vector<256x1xi32>
      %select_n3A_130 = arith.select %lt3A_126, %broadcast_in_dim3A_52, %get3A_129 : vector<256x1xi1>, vector<256x1xi32>
      %swap3A = arith.constant 0 : index
      %swap3A_131 = arith.constant 0 : index
      %swap3A_132 = vector.load %arg9[%swap3A, %swap3A_131] : memref<256x1xi32, #tpu.memory_space<vmem>>, vector<256x1xi32>
      tpu.vector_store %arg9[%swap3A, %swap3A_131], %select_n3A_130 {strides = array<i32>} : memref<256x1xi32, #tpu.memory_space<vmem>>, vector<256x1xi32>,
      %get3A_133 = arith.constant 0 : index
      %get3A_134 = arith.constant 0 : index
      %get3A_135 = vector.load %arg8[%get3A_133, %get3A_134] : memref<256x1xf32, #tpu.memory_space<vmem>>, vector<256x1xf32>
      %select_n3A_136 = arith.select %lt3A_126, %broadcast_in_dim3A, %get3A_135 : vector<256x1xi1>, vector<256x1xf32>
      %swap3A_137 = arith.constant 0 : index
      %swap3A_138 = arith.constant 0 : index
      %swap3A_139 = vector.load %arg8[%swap3A_137, %swap3A_138] : memref<256x1xf32, #tpu.memory_space<vmem>>, vector<256x1xf32>
      tpu.vector_store %arg8[%swap3A_137, %swap3A_138], %select_n3A_136 {strides = array<i32>} : memref<256x1xf32, #tpu.memory_space<vmem>>, vector<256x1xf32>,
    } else {
    }
    %eq3A_90 = arith.constant 3 : i32
    %eq3A_91 = arith.cmpi eq, %arg1, %eq3A_90 : i32
    %convert_element_type3A_92 = arith.extui %eq3A_91 : i1 to i32
    %cond3A_93 = arith.constant 0 : i32
    %cond3A_94 = arith.cmpi ne, %convert_element_type3A_92, %cond3A_93 : i32
    scf.if %cond3A_94 {
      %get3A_123 = arith.constant 0 : index
      %get3A_124 = arith.constant 0 : index
      %get3A_125 = vector.load %arg8[%get3A_123, %get3A_124] : memref<256x1xf32, #tpu.memory_space<vmem>>, vector<256x1xf32>
      %bitcast_convert_type3A_126 = tpu.bitcast %get3A_125 : vector<256x1xf32> -> vector<256x1xi32>
      %add3A_127 = arith.constant 32767 : i32
      %add3A_128 = vector.broadcast %add3A_127 : i32 to vector<256x1xi32>
      %add3A_129 = arith.addi %bitcast_convert_type3A_126, %add3A_128 : vector<256x1xi32>
      %shift_right_logical3A_130 = arith.constant 16 : i32
      %shift_right_logical3A_131 = vector.broadcast %shift_right_logical3A_130 : i32 to vector<256x1xi32>
      %shift_right_logical3A_132 = arith.shrui %bitcast_convert_type3A_126, %shift_right_logical3A_131 : vector<256x1xi32>
      %and3A_133 = arith.constant 1 : i32
      %and3A_134 = vector.broadcast %and3A_133 : i32 to vector<256x1xi32>
      %and3A_135 = arith.andi %shift_right_logical3A_132, %and3A_134 : vector<256x1xi32>
      %add3A_136 = arith.addi %add3A_129, %and3A_135 : vector<256x1xi32>
      %and3A_137 = arith.constant -65536 : i32
      %and3A_138 = vector.broadcast %and3A_137 : i32 to vector<256x1xi32>
      %and3A_139 = arith.andi %add3A_136, %and3A_138 : vector<256x1xi32>
      %bitcast_convert_type3A_140 = tpu.bitcast %and3A_139 : vector<256x1xi32> -> vector<256x1xf32>
      %swap3A = arith.constant 0 : index
      %swap3A_141 = arith.constant 0 : index
      %swap3A_142 = vector.load %arg10[%swap3A, %swap3A_141] : memref<256x1xf32, #tpu.memory_space<vmem>>, vector<256x1xf32>
      tpu.vector_store %arg10[%swap3A, %swap3A_141], %bitcast_convert_type3A_140 {strides = array<i32>} : memref<256x1xf32, #tpu.memory_space<vmem>>, vector<256x1xf32>,
      %get3A_143 = arith.constant 0 : index
      %get3A_144 = arith.constant 0 : index
      %get3A_145 = vector.load %arg9[%get3A_143, %get3A_144] : memref<256x1xi32, #tpu.memory_space<vmem>>, vector<256x1xi32>
      %swap3A_146 = arith.constant 0 : index
      %swap3A_147 = arith.constant 0 : index
      %swap3A_148 = vector.load %arg11[%swap3A_146, %swap3A_147] : memref<256x1xi32, #tpu.memory_space<vmem>>, vector<256x1xi32>
      tpu.vector_store %arg11[%swap3A_146, %swap3A_147], %get3A_145 {strides = array<i32>} : memref<256x1xi32, #tpu.memory_space<vmem>>, vector<256x1xi32>,
      %get3A_149 = arith.constant 0 : index
      %get3A_150 = arith.constant 0 : index
      %get3A_151 = vector.load %arg8[%get3A_149, %get3A_150] : memref<256x1xf32, #tpu.memory_space<vmem>>, vector<256x1xf32>
      %swap3A_152 = arith.constant 0 : index
      %swap3A_153 = arith.constant 0 : index
      %swap3A_154 = vector.load %arg12[%swap3A_152, %swap3A_153] : memref<256x1xf32, #tpu.memory_space<vmem>>, vector<256x1xf32>
      tpu.vector_store %arg12[%swap3A_152, %swap3A_153], %get3A_151 {strides = array<i32>} : memref<256x1xf32, #tpu.memory_space<vmem>>, vector<256x1xf32>,
    } else {
    }
    %jit3A_95 = arith.constant 4 : i32
    %eq3A_96 = arith.constant 0 : i32
    %eq3A_97 = arith.cmpi eq, %jit3A_95, %eq3A_96 : i32
    %jit3A_98 = arith.constant 1 : i32
    %select_n3A_99 = arith.select %eq3A_97, %jit3A_98, %jit3A_95 : i32
    %rem3A_100 = arith.remsi %arg1, %select_n3A_99 : i32
    %ne3A_101 = arith.constant 0 : i32
    %ne3A_102 = arith.cmpi ne, %rem3A_100, %ne3A_101 : i32
    %lt3A_103 = arith.constant 0 : i32
    %lt3A_104 = arith.cmpi slt, %rem3A_100, %lt3A_103 : i32
    %lt3A_105 = arith.constant 0 : i32
    %lt3A_106 = arith.cmpi slt, %select_n3A_99, %lt3A_105 : i32
    %ne3A_107 = arith.xori %lt3A_104, %lt3A_106 : i1
    %and3A_108 = arith.andi %ne3A_107, %ne3A_102 : i1
    %add3A_109 = arith.addi %rem3A_100, %select_n3A_99 : i32
    %select_n3A_110 = arith.select %and3A_108, %add3A_109, %rem3A_100 : i32
    %eq3A_111 = arith.constant 3 : i32
    %eq3A_112 = arith.cmpi eq, %select_n3A_110, %eq3A_111 : i32
    %gt3A = arith.constant 3 : i32
    %gt3A_113 = arith.cmpi sgt, %arg1, %gt3A : i32
    %and3A_114 = arith.andi %eq3A_112, %gt3A_113 : i1
    %convert_element_type3A_115 = arith.extui %and3A_114 : i1 to i32
    %cond3A_116 = arith.constant 0 : i32
    %cond3A_117 = arith.cmpi ne, %convert_element_type3A_115, %cond3A_116 : i32
    scf.if %cond3A_117 {
      %get3A_123 = arith.constant 0 : index
      %get3A_124 = arith.constant 0 : index
      %get3A_125 = vector.load %arg8[%get3A_123, %get3A_124] : memref<256x1xf32, #tpu.memory_space<vmem>>, vector<256x1xf32>
      %get3A_126 = arith.constant 0 : index
      %get3A_127 = arith.constant 0 : index
      %get3A_128 = vector.load %arg10[%get3A_126, %get3A_127] : memref<256x1xf32, #tpu.memory_space<vmem>>, vector<256x1xf32>
      %lt3A_129 = arith.cmpf olt, %get3A_125, %get3A_128 : vector<256x1xf32>
      %get3A_130 = arith.constant 0 : index
      %get3A_131 = arith.constant 0 : index
      %get3A_132 = vector.load %arg8[%get3A_130, %get3A_131] : memref<256x1xf32, #tpu.memory_space<vmem>>, vector<256x1xf32>
      %bitcast_convert_type3A_133 = tpu.bitcast %get3A_132 : vector<256x1xf32> -> vector<256x1xi32>
      %add3A_134 = arith.constant 32767 : i32
      %add3A_135 = vector.broadcast %add3A_134 : i32 to vector<256x1xi32>
      %add3A_136 = arith.addi %bitcast_convert_type3A_133, %add3A_135 : vector<256x1xi32>
      %shift_right_logical3A_137 = arith.constant 16 : i32
      %shift_right_logical3A_138 = vector.broadcast %shift_right_logical3A_137 : i32 to vector<256x1xi32>
      %shift_right_logical3A_139 = arith.shrui %bitcast_convert_type3A_133, %shift_right_logical3A_138 : vector<256x1xi32>
      %and3A_140 = arith.constant 1 : i32
      %and3A_141 = vector.broadcast %and3A_140 : i32 to vector<256x1xi32>
      %and3A_142 = arith.andi %shift_right_logical3A_139, %and3A_141 : vector<256x1xi32>
      %add3A_143 = arith.addi %add3A_136, %and3A_142 : vector<256x1xi32>
      %and3A_144 = arith.constant -65536 : i32
      %and3A_145 = vector.broadcast %and3A_144 : i32 to vector<256x1xi32>
      %and3A_146 = arith.andi %add3A_143, %and3A_145 : vector<256x1xi32>
      %bitcast_convert_type3A_147 = tpu.bitcast %and3A_146 : vector<256x1xi32> -> vector<256x1xf32>
      %get3A_148 = arith.constant 0 : index
      %get3A_149 = arith.constant 0 : index
      %get3A_150 = vector.load %arg10[%get3A_148, %get3A_149] : memref<256x1xf32, #tpu.memory_space<vmem>>, vector<256x1xf32>
      %select_n3A_151 = arith.select %lt3A_129, %bitcast_convert_type3A_147, %get3A_150 : vector<256x1xi1>, vector<256x1xf32>
      %swap3A = arith.constant 0 : index
      %swap3A_152 = arith.constant 0 : index
      %swap3A_153 = vector.load %arg10[%swap3A, %swap3A_152] : memref<256x1xf32, #tpu.memory_space<vmem>>, vector<256x1xf32>
      tpu.vector_store %arg10[%swap3A, %swap3A_152], %select_n3A_151 {strides = array<i32>} : memref<256x1xf32, #tpu.memory_space<vmem>>, vector<256x1xf32>,
      %get3A_154 = arith.constant 0 : index
      %get3A_155 = arith.constant 0 : index
      %get3A_156 = vector.load %arg9[%get3A_154, %get3A_155] : memref<256x1xi32, #tpu.memory_space<vmem>>, vector<256x1xi32>
      %get3A_157 = arith.constant 0 : index
      %get3A_158 = arith.constant 0 : index
      %get3A_159 = vector.load %arg11[%get3A_157, %get3A_158] : memref<256x1xi32, #tpu.memory_space<vmem>>, vector<256x1xi32>
      %select_n3A_160 = arith.select %lt3A_129, %get3A_156, %get3A_159 : vector<256x1xi1>, vector<256x1xi32>
      %swap3A_161 = arith.constant 0 : index
      %swap3A_162 = arith.constant 0 : index
      %swap3A_163 = vector.load %arg11[%swap3A_161, %swap3A_162] : memref<256x1xi32, #tpu.memory_space<vmem>>, vector<256x1xi32>
      tpu.vector_store %arg11[%swap3A_161, %swap3A_162], %select_n3A_160 {strides = array<i32>} : memref<256x1xi32, #tpu.memory_space<vmem>>, vector<256x1xi32>,
      %get3A_164 = arith.constant 0 : index
      %get3A_165 = arith.constant 0 : index
      %get3A_166 = vector.load %arg8[%get3A_164, %get3A_165] : memref<256x1xf32, #tpu.memory_space<vmem>>, vector<256x1xf32>
      %get3A_167 = arith.constant 0 : index
      %get3A_168 = arith.constant 0 : index
      %get3A_169 = vector.load %arg12[%get3A_167, %get3A_168] : memref<256x1xf32, #tpu.memory_space<vmem>>, vector<256x1xf32>
      %select_n3A_170 = arith.select %lt3A_129, %get3A_166, %get3A_169 : vector<256x1xi1>, vector<256x1xf32>
      %swap3A_171 = arith.constant 0 : index
      %swap3A_172 = arith.constant 0 : index
      %swap3A_173 = vector.load %arg12[%swap3A_171, %swap3A_172] : memref<256x1xf32, #tpu.memory_space<vmem>>, vector<256x1xf32>
      tpu.vector_store %arg12[%swap3A_171, %swap3A_172], %select_n3A_170 {strides = array<i32>} : memref<256x1xf32, #tpu.memory_space<vmem>>, vector<256x1xf32>,
    } else {
    }
    %eq3A_118 = arith.constant 15 : i32
    %eq3A_119 = arith.cmpi eq, %arg1, %eq3A_118 : i32
    %convert_element_type3A_120 = arith.extui %eq3A_119 : i1 to i32
    %cond3A_121 = arith.constant 0 : i32
    %cond3A_122 = arith.cmpi ne, %convert_element_type3A_120, %cond3A_121 : i32
    scf.if %cond3A_122 {
      %get3A_123 = arith.constant 0 : index
      %get3A_124 = arith.constant 0 : index
      %get3A_125 = vector.load %arg11[%get3A_123, %get3A_124] : memref<256x1xi32, #tpu.memory_space<vmem>>, vector<256x1xi32>
      %swap3A = arith.constant 0 : index
      %swap3A_126 = arith.constant 0 : index
      %swap3A_127 = vector.load %arg6[%swap3A, %swap3A_126] : memref<256x1xi32, #tpu.memory_space<vmem>>, vector<256x1xi32>
      tpu.vector_store %arg6[%swap3A, %swap3A_126], %get3A_125 {strides = array<i32>} : memref<256x1xi32, #tpu.memory_space<vmem>>, vector<256x1xi32>,
      %get3A_128 = arith.constant 0 : index
      %get3A_129 = arith.constant 0 : index
      %get3A_130 = vector.load %arg12[%get3A_128, %get3A_129] : memref<256x1xf32, #tpu.memory_space<vmem>>, vector<256x1xf32>
      %reduce_sum3A = vector.shape_cast %get3A_130 : vector<256x1xf32> to vector<1x256x1xf32>
      %reduce_sum3A_131 = arith.constant dense<0.000000e+00> : vector<1xf32>
      %reduce_sum3A_132 = vector.multi_reduction <add>, %reduce_sum3A, %reduce_sum3A_131 [1, 2] : vector<1x256x1xf32> to vector<1xf32>
      %reduce_sum3A_133 = vector.shape_cast %reduce_sum3A_132 : vector<1xf32> to vector<1x1x1xf32>
      %reduce_sum3A_134 = vector.extract %reduce_sum3A_133[0, 0, 0] : f32 from vector<1x1x1xf32>
      %eq3A_135 = arith.constant 0 : i32
      %eq3A_136 = arith.cmpi eq, %arg0, %eq3A_135 : i32
      %convert_element_type3A_137 = arith.extui %eq3A_136 : i1 to i32
      %cond3A_138 = arith.constant 0 : i32
      %cond3A_139 = arith.cmpi ne, %convert_element_type3A_137, %cond3A_138 : i32
      scf.if %cond3A_139 {
        %swap3A_150 = arith.constant 0 : index
        %swap3A_151 = memref.load %arg13[%swap3A_150] : memref<1xf32, #tpu.memory_space<smem>>
        memref.store %reduce_sum3A_134, %arg13[%swap3A_150] : memref<1xf32, #tpu.memory_space<smem>>
      } else {
      }
      %gt3A_140 = arith.constant 0 : i32
      %gt3A_141 = arith.cmpi sgt, %arg0, %gt3A_140 : i32
      %convert_element_type3A_142 = arith.extui %gt3A_141 : i1 to i32
      %cond3A_143 = arith.constant 0 : i32
      %cond3A_144 = arith.cmpi ne, %convert_element_type3A_142, %cond3A_143 : i32
      scf.if %cond3A_144 {
        %get3A_150 = arith.constant 0 : index
        %get3A_151 = memref.load %arg13[%get3A_150] : memref<1xf32, #tpu.memory_space<smem>>
        %add3A_152 = arith.addf %get3A_151, %reduce_sum3A_134 : f32
        %swap3A_153 = arith.constant 0 : index
        %swap3A_154 = memref.load %arg13[%swap3A_153] : memref<1xf32, #tpu.memory_space<smem>>
        memref.store %add3A_152, %arg13[%swap3A_153] : memref<1xf32, #tpu.memory_space<smem>>
      } else {
      }
      %eq3A_145 = arith.constant 31 : i32
      %eq3A_146 = arith.cmpi eq, %arg0, %eq3A_145 : i32
      %convert_element_type3A_147 = arith.extui %eq3A_146 : i1 to i32
      %cond3A_148 = arith.constant 0 : i32
      %cond3A_149 = arith.cmpi ne, %convert_element_type3A_147, %cond3A_148 : i32
      scf.if %cond3A_149 {
        %get3A_150 = arith.constant 0 : index
        %get3A_151 = memref.load %arg13[%get3A_150] : memref<1xf32, #tpu.memory_space<smem>>
        %mul3A_152 = arith.constant 4.76837158E-6 : f32
        %mul3A_153 = arith.mulf %get3A_151, %mul3A_152 : f32
        %broadcast_in_dim3A_154 = vector.broadcast %mul3A_153 : f32 to vector<1x1xf32>
        %swap3A_155 = arith.constant 0 : index
        %swap3A_156 = arith.constant 0 : index
        %swap3A_157 = vector.load %arg7[%swap3A_155, %swap3A_156] : memref<1x1xf32, #tpu.memory_space<vmem>>, vector<1x1xf32>
        tpu.vector_store %arg7[%swap3A_155, %swap3A_156], %broadcast_in_dim3A_154 {strides = array<i32>} : memref<1x1xf32, #tpu.memory_space<vmem>>, vector<1x1xf32>,
      } else {
      }
    } else {
    }
    return
  }
  func.func @transform_0(%arg0: i32, %arg1: i32) -> (i32, i32) {
    %c0_i32 = arith.constant 0 : i32
    %c0_i32_0 = arith.constant 0 : i32
    return %arg0, %c0_i32 : i32, i32
  }
  func.func @transform_1(%arg0: i32, %arg1: i32) -> (i32, i32) {
    %c0_i32 = arith.constant 0 : i32
    %c0_i32_0 = arith.constant 0 : i32
    return %arg1, %c0_i32 : i32, i32
  }
  func.func @transform_2(%arg0: i32, %arg1: i32) -> (i32, i32) {
    %c0_i32 = arith.constant 0 : i32
    %c0_i32_0 = arith.constant 0 : i32
    return %arg0, %c0_i32 : i32, i32
  }
  func.func @transform_3(%arg0: i32, %arg1: i32) -> (i32, i32) {
    %c0_i32 = arith.constant 0 : i32
    %c0_i32_0 = arith.constant 0 : i32
    return %c0_i32, %arg1 : i32, i32
  }
  func.func @transform_4(%arg0: i32, %arg1: i32) -> (i32, i32) {
    %c0_i32 = arith.constant 0 : i32
    %c0_i32_0 = arith.constant 0 : i32
    return %arg0, %c0_i32 : i32, i32
  }
  func.func @transform_5(%arg0: i32, %arg1: i32) -> (i32, i32) {
    %c0_i32 = arith.constant 0 : i32
    %c0_i32_0 = arith.constant 0 : i32
    %c0_i32_1 = arith.constant 0 : i32
    return %c0_i32, %c0_i32_0 : i32, i32
  }
}

</mosaic_0001>

<sc_bundles>
// kernel: kernel.4.cloned.1.call-start
scs
__scs_entry_jumppad:
0x0: {  	(pc) =	sbr.rel $0x88, $3  }
0x1: {  	(tag) =	ssettag $0x0;
	lr =	simm.s32 $0x1  }
0x2: {  	[smem:$0x3F9F] =	sst lr;
	_ =	strace $0xD0000000  }
0x3: {  	_ = 	snop  }
0x4: {  	_ = 	snop  }
0x5: {  	_ = 	snop  }
0x6: {  	_ = 	snop  }
0x7: {  	_ = 	snop  }
__scs_overlays_trampoline_lowered:
0x8: {  	[smem:$0x3FAE] =	sst s0  }
0x9: {  	[smem:$0x3FAF] =	sst s1  }
0xa: {  	[smem:$0x3FB0] =	sst s2  }
0xb: {  	[smem:$0x3FB1] =	sst s3  }
0xc: {  	[smem:$0x3FB2] =	sst s4  }
0xd: {  	[smem:$0x3FB3] =	sst s5  }
0xe: {  	[smem:$0x3FB4] =	sst s6  }
0xf: {  	[smem:$0x3FB5] =	sst s7  }
0x10: {  	[smem:$0x3FB6] =	sst s8  }
0x11: {  	[smem:$0x3FB7] =	sst s9;
	s0 =	simm.s32 @!p0 $0x0  }
0x12: {  	s1 =	sld [smem:$0x3F9D];
	s0 =	simm.s32 @p0 $0x1  }
0x13: {  	[smem:$0x3FB8] =	sst s0;
	s0 =	simm.s32 @!p1 $0x0  }
0x14: {  	s2 =	sld [smem:$0x3F9C];
	s0 =	simm.s32 @p1 $0x1  }
0x15: {  	[smem:$0x3FB9] =	sst s0;
	s0 =	simm.s32 @!p2 $0x0  }
0x16: {  	s3 =	sld [smem:$0x3FDB];
	s0 =	simm.s32 @p2 $0x1  }
0x17: {  	s4 =	simm.s32 $0x1BF5;
	[smem:$0x3FBB] =	sst s0  }
0x18: {  	s0 =	sld [smem:$0x3F9E];
	_ =	swait.ge [sflag:s4], $0x0  }
0x19: {  	s7 =	sld [smem:$0x3F9F]  }
0x1a: {  	s8 =	sadd.s32 $0xFFFFE003, lr  }
0x1b: {  	s9 =	sadd.s32 $0xFFFFFEF7, lr;
	s5 =	simm.s32 $0xFFFFFFFF;
	p2 =	slt.u32 s8, $0xFFFFF086  }
0x1c: {  	p1 =	slt.u32 s9, $0xF7A;
	s5 =	simm.s32 @!p2 $0x0  }
0x1d: {  	s5 =	simm.s32 @p1 $0x1;
	p0 =	seq.s32 s7, s2  }
0x1e: {  	s7 =	smul.u32 @!p0 $0xF7A, s2;
	p2 =	seq.s32 @!p0 s5, $0x0  }
0x1f: {  	s9 =	smul.u32 $0xF7A, s1;
	s8 =	simm.s32 @!p0 $0x1BF5;
	p2 =	por !p2, p0  }
0x20: {  	[sflag:s8] =	ssyncset.s32 @!p0 $0xFFFFF086;
	s6 =	sadd.s32 @!p0 s3, s7;
	s7 =	simm.s32 @!p0 $0x108  }
0x21: {  	s3 =	sadd.s32 s3, s9;
	s6 =	sadd.s32 @!p0 $0x88, s6;
	s7 =	simm.s32 @p2 $0x1082  }
0x22: {  	[simem:s7], [sflag:s8] =	dma.local @!p0 [hbm:s6], $0xF7A  }
0x23: {  	s9 =	sor.u32 $0xD0000000, s2;
	s6 =	simm.s32 $0x108;
	_ =	swait.ge @!p0 [sflag:s8], $0x0  }
0x24: {  	s3 =	sadd.s32 $0x88, s3;
	s6 =	simm.s32 @!p1 $0x1082;
	[sflag:s4] =	ssyncset.s32 $0xFFFFF086  }
0x25: {  	[simem:s6], [sflag:s4] =	dma.local [hbm:s3], $0xF7A  }
0x26: {  	[smem:$0x3F9F] =	sst s1;
	(tag) =	ssettag s2;
	_ =	strace s9  }
0x27: {  	s1 =	sld [smem:$0x3FAF]  }
0x28: {  	s2 =	sld [smem:$0x3FB0]  }
0x29: {  	s4 =	sld [smem:$0x3FB2]  }
0x2a: {  	p0 =	seq.s32 s5, $0x0;
	s5 =	sld [smem:$0x3FB3]  }
0x2b: {  	s6 =	sld [smem:$0x3FB4]  }
0x2c: {  	s7 =	sld [smem:$0x3FB5]  }
0x2d: {  	s3 =	simm.s32 $0x108;
	s8 =	sld [smem:$0x3FB6]  }
0x2e: {  	s3 =	simm.s32 @!p0 $0x1082;
	s9 =	sld [smem:$0x3FB7]  }
0x2f: {  	lr =	sadd.s32 s0, s3;
	s0 =	sld [smem:$0x3FAE]  }
0x30: {  	s3 =	sld [smem:$0x3FB1]  }
0x31: {  	[smem:$0x3FBA] =	sst s10  }
0x32: {  	s10 =	sld [smem:$0x3FB8];
	_ =	sdelay $0x3  }
0x33: {  	p0 =	seq.s32 s10, $0x1;
	s10 =	sld [smem:$0x3FBA];
	_ =	sdelay $0x3  }
0x34: {  	[smem:$0x3FBA] =	sst s10  }
0x35: {  	s10 =	sld [smem:$0x3FB9];
	_ =	sdelay $0x3  }
0x36: {  	p1 =	seq.s32 s10, $0x1;
	s10 =	sld [smem:$0x3FBA];
	_ =	sdelay $0x3  }
0x37: {  	[smem:$0x3FBA] =	sst s10  }
0x38: {  	s10 =	sld [smem:$0x3FBB]  }
0x39: {  	_ = 	snop;
	(pc) =	sbr.ind lr, $3  }
0x3a: {  	_ = 	snop  }
0x3b: {  	_ = 	snop  }
0x3c: {  	p2 =	seq.s32 s10, $0x1;
	s10 =	sld [smem:$0x3FBA]  }
0x3d: {  	_ =	shalt  }
0x3e: {  	_ =	shalt  }
0x3f: {  	_ =	shalt  }
0x40: {  	_ =	shalt  }
0x41: {  	_ =	shalt  }
0x42: {  	_ =	shalt  }
0x43: {  	_ =	shalt  }
0x44: {  	_ =	shalt  }
0x45: {  	_ =	shalt  }
0x46: {  	_ =	shalt  }
0x47: {  	_ =	shalt  }
0x48: {  	_ =	shalt  }
0x49: {  	_ =	shalt  }
0x4a: {  	_ =	shalt  }
0x4b: {  	_ =	shalt  }
0x4c: {  	_ =	shalt  }
0x4d: {  	_ =	shalt  }
0x4e: {  	_ =	shalt  }
0x4f: {  	_ =	shalt  }
0x50: {  	_ =	shalt  }
0x51: {  	_ =	shalt  }
0x52: {  	_ =	shalt  }
0x53: {  	_ =	shalt  }
0x54: {  	_ =	shalt  }
0x55: {  	_ =	shalt  }
0x56: {  	_ =	shalt  }
0x57: {  	_ =	shalt  }
0x58: {  	_ =	shalt  }
0x59: {  	_ =	shalt  }
0x5a: {  	_ =	shalt  }
0x5b: {  	_ =	shalt  }
0x5c: {  	_ =	shalt  }
0x5d: {  	_ =	shalt  }
0x5e: {  	_ =	shalt  }
0x5f: {  	_ =	shalt  }
0x60: {  	_ =	shalt  }
0x61: {  	_ =	shalt  }
0x62: {  	_ =	shalt  }
0x63: {  	_ =	shalt  }
0x64: {  	_ =	shalt  }
0x65: {  	_ =	shalt  }
0x66: {  	_ =	shalt  }
0x67: {  	_ =	shalt  }
0x68: {  	_ =	shalt  }
0x69: {  	_ =	shalt  }
0x6a: {  	_ =	shalt  }
0x6b: {  	_ =	shalt  }
0x6c: {  	_ =	shalt  }
0x6d: {  	_ =	shalt  }
0x6e: {  	_ =	shalt  }
0x6f: {  	_ =	shalt  }
0x70: {  	_ =	shalt  }
0x71: {  	_ =	shalt  }
0x72: {  	_ =	shalt  }
0x73: {  	_ =	shalt  }
0x74: {  	_ =	shalt  }
0x75: {  	_ =	shalt  }
0x76: {  	_ =	shalt  }
0x77: {  	_ =	shalt  }
0x78: {  	_ =	shalt  }
0x79: {  	_ =	shalt  }
0x7a: {  	_ =	shalt  }
0x7b: {  	_ =	shalt  }
0x7c: {  	_ =	shalt  }
0x7d: {  	_ =	shalt  }
0x7e: {  	_ =	shalt  }
0x7f: {  	_ =	shalt  }
0x80: {  	_ =	shalt  }
0x81: {  	_ =	shalt  }
0x82: {  	_ =	shalt  }
0x83: {  	_ =	shalt  }
0x84: {  	_ =	shalt  }
0x85: {  	_ =	shalt  }
0x86: {  	_ =	shalt  }
0x87: {  	_ =	shalt  }
.Lfunc_end0:
.L_simem_size_0:
called_computation_lowered:
.L_overlay_start_0:
0x88: {  	s2 =	sld [smem:$0x3FD9]  }
0x89: {  	s3 =	sld [smem:$0x3FFE];
	_ =	sdelay $0x1  }
0x8a: {  	s1 =	srdreg.scid  }
0x8b: {  	s0 =	sand.u32 $0x1, s1  }
0x8c: {  	s14 =	sshll.u32 s0, $0xA;
	s2 =	sadd.s32 s3, s2  }
0x8d: {  	s2 =	sadd.s32 s2, s14  }
0x8e: {  	[smem:$0x3FC6] =	sst s2  }
0x8f: {  	_ = 	snop  }
0x90: {  	s2 =	sld [smem:$0x3FD0];
	_ =	sdelay $0x2  }
0x91: {  	s15 =	simm.s32 $0xA;
	s4 =	simm.s32 $0x10  }
0x92: {  	[smem:s4], [sflag:s15] =	dma.local [hbm:s2], $0x1  }
0x93: {  	_ =	swait.eq [sflag:s15], $0x1  }
0x94: {  	[sflag:s15] =	ssyncset.done $0x0  }
0x95: {  	[sflag:s15] =	ssyncadd.s32 $0xFFFFFFFF  }
0x96: {  	s16 =	sld [smem:$0x10];
	(tm) =	ssettm $0x1  }
0x97: {  	s17 =	sld [smem:$0x3FFB];
	_ =	sdelay $0x3  }
0x98: {  	_ =	strace s17  }
0x99: {  	s3 =	sld [smem:$0x3FFC];
	_ =	sdelay $0x3  }
0x9a: {  	_ =	strace s3  }
0x9b: {  	s3 =	sld [smem:$0x3FFD];
	_ =	sdelay $0x3  }
0x9c: {  	_ =	strace s3  }
0x9d: {  	_ =	strace $0x8FFFFFFF  }
0x9e: {  	s18 =	sld [smem:$0x3FDB];
	_ =	sdelay $0x1  }
0x9f: {  	s19 =	simm.s32 $_scs_section_size  }
0xa0: {  	s5 =	simm.s32 $_size__tile_overlayer_lowered;
	s6 =	simm.s32 $_tile_overlayer_lowered  }
0xa1: {  	s22 =	simm.s32 $0x1BFF;
	s21 =	sshll.u32 s6, $0x1;
	s3 =	sadd.s32 s19, s18  }
0xa2: {  	s7 =	simm.s32 $0x0;
	s20 =	sshll.u32 s5, $0x1;
	s5 =	sadd.s32 s21, s3  }
0xa3: {  	[timem:s7], [sflag:s22] =	dma.local [hbm:s5], s20  }
0xa4: {  	_ =	swait.ge [sflag:s22], s20  }
0xa5: {  	s4 =	ssub.s32 $0x0, s20;
	[sflag:s22] =	ssyncset.done $0x0  }
0xa6: {  	[sflag:s22] =	ssyncadd.s32 s4;
	_ =	sdelay $0x1  }
0xa7: {  	s23 =	simm.s32 $0x1B8B  }
0xa8: {  	_ =	swait.ge [sflag:s23], $0x1  }
0xa9: {  	[sflag:s23] =	ssyncset.done $0x0  }
0xaa: {  	s25 =	simm.s32 $0x1B8E;
	s24 =	sld [smem:$0x3FFE];
	[sflag:s23] =	ssyncadd.s32 $0xFFFFFFFF  }
0xab: {  	s26 =	simm.s32 $execute0_lowered;
	[smem:$0x3FD2] =	sst s25  }
0xac: {  	s5 =	sshll.u32 s26, $0x1;
	_ =	strace $0x80000046;
	[dreg:$0x1] =	wrdreg $0xFFFFFFFF  }
0xad: {  	s28 =	simm.s32 $_size_execute0_lowered;
	s3 =	sadd.s32 s3, s5;
	[dreg:$0x0] =	wrdreg $0x0  }
0xae: {  	s5 =	sshll.u32 s28, $0x1;
	[dreg:$0x2] =	wrdreg s3  }
0xaf: {  	[dreg:$0x3] =	wrdreg s5  }
0xb0: {  	[dreg:$0x4] =	wrdreg $0xC0  }
0xb1: {  	_ =	task [dreg:s7], $0x5FFFF  }
0xb2: {  	[dreg:$0x1] =	wrdreg $0xFFFFFFFF  }
0xb3: {  	[dreg:$0x0] =	wrdreg $0x60  }
0xb4: {  	[dreg:$0x2] =	wrdreg s24  }
0xb5: {  	[dreg:$0x3] =	wrdreg s16  }
0xb6: {  	[dreg:$0x4] =	wrdreg $0x9  }
0xb7: {  	_ =	task.clear_ibuf [dreg:s7], $0x5FFFF;
	_ =	strace $0x90000046  }
0xb8: {  	s29 =	simm.s32 $0x9;
	_ =	strace $0x80000048  }
0xb9: {  	_ =	swait.ge [sflag:s29], $0x1  }
0xba: {  	[sflag:s29] =	ssyncadd.s32 $0xFFFFFFFF  }
0xbb: {  	_ =	strace $0x90000048  }
0xbc: {  	_ =	sfence  }
0xbd: {  	s30 =	sld [smem:$0x0];
	_ =	sdelay $0x2  }
0xbe: {  	s31 =	sshll.u32 s1, $0xD;
	s1 =	sshrl.u32 s1, $0x2  }
0xbf: {  	s3 =	sand.u32 $0x4000, s31;
	s1 =	sadd.s32 s1, s30  }
0xc0: {  	s0 =	sor.u32 s3, s0;
	s1 =	sshll.u32 s1, $0x11  }
0xc1: {  	s0 =	sor.u32 s1, s0  }
0xc2: {  	s0 =	sadd.s32 $0x8F2B, s0  }
0xc3: {  	[sflag:s0] =	ssyncadd.remote.s32 $0x1  }
0xc4: {  	_ =	sfence.sel $0xFFFF  }
0xc5: {  	[dreg:$0x0] =	wrdreg $0xFFFFFFFF;
	(pc) =	sbr.abs _section_cstart, $3  }
0xc6: {  	[dreg:$0x1] =	wrdreg $0xFFFFFFFF  }
0xc7: {  	_ =	task.clear_ibuf [dreg:s7], $0x2FFFF;
	_ =	strace $0x9FFFFFFF  }
0xc8: {  	(tm) =	ssettm $0x7FFFFFFF  }
0xc9: {  	_ =	shalt  }
tec
execute0_lowered:
.L_overlay_start_1:
0x0: {  	(tag) =	ssettag $0x1  }
0x1: {  	s1 =	srdreg.scid  }
0x2: {  	s2 =	rddreg [dreg:$0x0];
	s0 =	stileid.u32;
	s10 =	sand.u32 $0x1, s1  }
0x3: {  	s4 =	rddreg [dreg:$0x1];
	s5 =	sshll.u32 s0, $0x2;
	s6 =	sshll.u32 s10, $0x1  }
0x4: {  	s3 =	simm.s32 $0x0;
	s1 =	rddreg [dreg:$0x2];
	s11 =	sor.u32 s6, s5  }
0x5: {  	[smem:$0x7FF] =	sst s3;
	s5 =	sshll.u32 s11, $0x4  }
0x6: {  	_ =	strace $0x80000047;
	s5 =	sadd.s32 s4, s5;
	s4 =	simm.s32 $0x2  }
0x7: {  	[tilespmem:s3], [sflag:$0x2] =	stream.linear.gather [hbm4b:s5+s3], $0x100, $0x38;
	[tilespmem:$0x8100] =	vst v63  }
0x8: {  	_ =	swait.ge [sflag:s4], $0x100  }
0x9: {  	[sflag:s4] =	ssyncset.done $0x0  }
0xa: {  	s7 =	simm.s32 $0x100;
	s6 =	simm.s32 $0x80;
	[sflag:s4] =	ssyncadd.s32 $0xFFFFFF00  }
0xb: {  	[tilespmem:s7], [sflag:$0x1] =	stream.indirect.gather [hbm4b:s2+s6], $0x80, s3, s6, $0xb8;
	[tilespmem:$0x8100] =	vst v63  }
0xc: {  	s8 =	simm.s32 $0x4100;
	s9 =	simm.s32 $0x1;
	s10 =	ssub.s32 $0x2, s10  }
0xd: {  	[tilespmem:s8], [sflag:$0x1] =	stream.indirect.gather [hbm4b:s2+s6], $0x80, s6, s6, $0xb8;
	[tilespmem:$0x8100] =	vst v63  }
0xe: {  	s12 =	sshrl.u32 s10, $0x1;
	_ =	swait.ge [sflag:s9], $0x4000  }
0xf: {  	s12 =	ssub.s32 s10, s12;
	[sflag:s9] =	ssyncset.done $0x0  }
0x10: {  	s31 =	smax.u32 s12, $0x1;
	[sflag:s9] =	ssyncadd.s32 $0xFFFFC000  }
0x11: {  	s11 =	sshll.u32 s11, $0xB;
	p0 =	sne.s32 s31, $0x1;
	_ =	swait.ge [sflag:s9], $0x4000  }
.Ltmp0:
0x12: {  	s30 =	sadd.s32 s11, s2;
	[sflag:s9] =	ssyncset.done $0x0;
	(pc) =	sbr.rel @!p0 .LBB2_2-.Ltmp0, $4  }
0x13: {  	s10 =	sadd.s32 $0x20000, s30;
	[sflag:s9] =	ssyncadd.s32 $0xFFFFC000  }
0x14: {  	[hbm4b:s10+s3] =	stream.linear.scatter [tilespmem:s7], [sflag:$0x2], $0x8000, $0x38;
	[tilespmem:$0x8100] =	vst v63  }
0x15: {  	_ =	swait.ge [sflag:s4], $0x8000  }
0x16: {  	s11 =	sadd.s32 $0xFFFFFFFF, s31;
	[sflag:s4] =	ssyncset.done $0x0  }
.LBB2_1:
0x17: {  	p0 =	sne.s32 s11, $0x1;
	s11 =	sadd.s32 $0xFFFFFFFF, s11;
	[sflag:s4] =	ssyncadd.s32 $0xFFFF8000  }
0x18: {  	[tilespmem:s3], [sflag:$0x2] =	stream.linear.gather [hbm4b:s5+s3], $0x100, $0x38;
	[tilespmem:$0x8100] =	vst v63  }
0x19: {  	_ =	swait.ge [sflag:s4], $0x100  }
0x1a: {  	[sflag:s4] =	ssyncset.done $0x0  }
0x1b: {  	[sflag:s4] =	ssyncadd.s32 $0xFFFFFF00  }
0x1c: {  	[tilespmem:s7], [sflag:$0x1] =	stream.indirect.gather [hbm4b:s2+s6], $0x80, s3, s6, $0xb8;
	[tilespmem:$0x8100] =	vst v63  }
0x1d: {  	_ = 	snop  }
0x1e: {  	[tilespmem:s8], [sflag:$0x1] =	stream.indirect.gather [hbm4b:s2+s6], $0x80, s6, s6, $0xb8;
	[tilespmem:$0x8100] =	vst v63  }
0x1f: {  	_ =	swait.ge [sflag:s9], $0x4000  }
0x20: {  	[sflag:s9] =	ssyncset.done $0x0  }
0x21: {  	[sflag:s9] =	ssyncadd.s32 $0xFFFFC000  }
0x22: {  	_ =	swait.ge [sflag:s9], $0x4000  }
.Ltmp1:
0x23: {  	[sflag:s9] =	ssyncset.done $0x0;
	(pc) =	sbr.rel @p0 .LBB2_1-.Ltmp1, $4  }
0x24: {  	[sflag:s9] =	ssyncadd.s32 $0xFFFFC000  }
0x25: {  	[hbm4b:s10+s3] =	stream.linear.scatter [tilespmem:s7], [sflag:$0x2], $0x8000, $0x38;
	[tilespmem:$0x8100] =	vst v63  }
0x26: {  	_ =	swait.ge [sflag:s4], $0x8000  }
0x27: {  	[sflag:s4] =	ssyncset.done $0x0  }
.LBB2_2:
0x28: {  	[sflag:s4] =	ssyncadd.s32 $0xFFFF8000  }
0x29: {  	_ =	sfence.sel $0x180000  }
0x2a: {  	[bflag:$0x0] =	sbarrier.arrive $0xFFFF  }
0x2b: {  	p0 =	sne.s32 s0, $0x0;
	_ =	strace $0x90000047  }
0x2c: {  	s0 =	sadd.s32 @!p0 $0x100000, s1;
	[bflag:$0x2] =	sbarrier.arrive $0xFFFF  }
0x2d: {  	[sflag:s0] =	ssyncadd.tile.s32 @!p0 $0x1;
	_ =	shalt  }
.Lfunc_end2:
_tile_overlayer_lowered:
.L_overlay_start_2:
0x2e: {  	(tag) =	ssettag $0x2  }
0x2f: {  	s0 =	rddreg [dreg:$0x0];
	s2 =	stileid.u32  }
0x30: {  	s1 =	rddreg [dreg:$0x1];
	p0 =	sne.s32 s2, $0x0  }
0x31: {  	s3 =	rddreg [dreg:$0x2];
	[bflag:$0x3] =	sbarrier.arrive $0xFFFF;
	s2 =	simm.s32 @!p0 $0x1C02  }
0x32: {  	[timem:s3], [sflag:s2] =	dma.local @!p0 [hbm:s0], s1  }
0x33: {  	s0 =	simm.s32 @!p0 $0x2  }
0x34: {  	_ =	swait.ge @!p0 [sflag:s0], s1  }
0x35: {  	s1 =	ssub.s32 @!p0 $0x0, s1;
	[sflag:s0] =	ssyncset.done @!p0 $0x0  }
0x36: {  	[sflag:s0] =	ssyncadd.s32 @!p0 s1  }
0x37: {  	[bflag:$0x3] =	sbarrier.arrive $0xFFFF  }
0x38: {  	_ =	shalt  }

</sc_bundles>
